<compile_context>
chip_gen: v7x
topology: tpu7x:2x2x1
jax: 0.10.2.dev20260603
libtpu: 0.0.44.dev20260713+nightly
codegen_flags: <defaults>
</compile_context>

<pallas_src>
import jax
import jax.numpy as jnp
from jax import lax
from jax.experimental import pallas as pl
from jax.experimental.pallas import tpu as pltpu
from jax.experimental.pallas import tpu_sc as plsc

VOCAB_ = 10000
EMB_ = 32
BATCH_ = 16384

_NC = 2
_NS = 16
_NW = _NC * _NS
_BPW = BATCH_ // _NW
_CH = 128
_NCHUNK = _BPW // _CH
_HALF = BATCH_ // 2


def _gather_body(uid_ref, mid_ref, utab_ref, mtab_ref, out_ref,
                 uidx, midx, urows, mrows, usem, msem):
    wid = lax.axis_index("s") * _NC + lax.axis_index("c")
    base = wid * _BPW
    row0 = base % _HALF
    col0 = (base // _HALF) * (2 * EMB_)
    pltpu.sync_copy(uid_ref.at[pl.ds(base, _BPW)], uidx)
    pltpu.sync_copy(mid_ref.at[pl.ds(base, _BPW)], midx)
    ucopies = [
        pltpu.async_copy(utab_ref.at[uidx.at[pl.ds(j * _CH, _CH)]],
                         urows.at[pl.ds(j * _CH, _CH)], usem)
        for j in range(_NCHUNK)
    ]
    mcopies = [
        pltpu.async_copy(mtab_ref.at[midx.at[pl.ds(j * _CH, _CH)]],
                         mrows.at[pl.ds(j * _CH, _CH)], msem)
        for j in range(_NCHUNK)
    ]
    for c in ucopies:
        c.wait()
    pltpu.sync_copy(urows, out_ref.at[pl.ds(row0, _BPW), pl.ds(col0, EMB_)])
    for c in mcopies:
        c.wait()
    pltpu.sync_copy(mrows,
                    out_ref.at[pl.ds(row0, _BPW), pl.ds(col0 + EMB_, EMB_)])


_gather = pl.kernel(
    _gather_body,
    mesh=plsc.VectorSubcoreMesh(core_axis_name="c", subcore_axis_name="s"),
    out_type=jax.ShapeDtypeStruct((_HALF, 128), jnp.float32),
    scratch_types=[
        pltpu.VMEM((_BPW,), jnp.int32),
        pltpu.VMEM((_BPW,), jnp.int32),
        pltpu.VMEM((_BPW, EMB_), jnp.float32),
        pltpu.VMEM((_BPW, EMB_), jnp.float32),
        pltpu.SemaphoreType.DMA,
        pltpu.SemaphoreType.DMA,
    ],
    compiler_params=pltpu.CompilerParams(use_tc_tiling_on_sc=False),
)

_BT = _HALF


def _mlp_body(x_ref, w0_ref, b0_ref, w1_ref, b1_ref, w2t_ref, b2_ref,
              out_ref):
    def head(xh):
        h = jnp.dot(xh, w0_ref[...], preferred_element_type=jnp.float32)
        h = jnp.maximum(h + b0_ref[...][None, :], 0.0)
        h = jnp.dot(h, w1_ref[...], preferred_element_type=jnp.float32)
        h = jnp.maximum(h + b1_ref[...][None, :], 0.0)
        r = lax.dot_general(w2t_ref[...], h, (((1,), (1,)), ((), ())),
                            preferred_element_type=jnp.float32)
        return r[0] + b2_ref[0]

    out_ref[pl.ds(0, _HALF)] = head(x_ref[:, 0:2 * EMB_])
    out_ref[pl.ds(_HALF, _HALF)] = head(x_ref[:, 2 * EMB_:4 * EMB_])


def _mlp(x, w0, b0, w1, b1, w2t, b2):
    return pl.pallas_call(
        _mlp_body,
        in_specs=[
            pl.BlockSpec((_HALF, 128), lambda: (0, 0)),
            pl.BlockSpec((2 * EMB_, 256), lambda: (0, 0)),
            pl.BlockSpec((256,), lambda: (0,)),
            pl.BlockSpec((256, 64), lambda: (0, 0)),
            pl.BlockSpec((64,), lambda: (0,)),
            pl.BlockSpec((1, 64), lambda: (0, 0)),
            pl.BlockSpec((1,), lambda: (0,)),
        ],
        out_specs=pl.BlockSpec((BATCH_,), lambda: (0,)),
        out_shape=jax.ShapeDtypeStruct((BATCH_,), jnp.float32),
    )(x, w0, b0, w1, b1, w2t, b2)


def kernel(user_id, movie_id, user_embeddings, movie_embeddings,
           W0, b0, W1, b1, W2, b2):
    x = _gather(user_id.astype(jnp.int32), movie_id.astype(jnp.int32),
                user_embeddings, movie_embeddings)
    return _mlp(x, W0, b0, W1, b1, W2.reshape(1, 64), b2)

# --- scband reference (transcript-rebuilt; emitter-appended) ---
"""Pipeline reference for scband-ncfmodel-3307124817923 (READ-ONLY COPY).

The authoritative reference and input builder live on the scoring server;
editing this copy changes nothing except your own understanding.
"""

import jax, jax.numpy as jnp
import numpy as np

VOCAB = 10000
EMB = 32
BATCH = 16384

def setup_inputs(seed: int = 0) -> dict:
    key = jax.random.key(seed)
    ks = jax.random.split(key, 12)
    user_id = jax.random.randint(ks[0], (BATCH,), 0, VOCAB, dtype=jnp.int64 if jax.config.jax_enable_x64 else jnp.int32)
    movie_id = jax.random.randint(ks[1], (BATCH,), 0, VOCAB, dtype=jnp.int64 if jax.config.jax_enable_x64 else jnp.int32)
    user_embeddings = jax.random.normal(ks[2], (VOCAB, EMB), dtype=jnp.float32) * 1.0 + (-1.0)
    movie_embeddings = jax.random.normal(ks[3], (VOCAB, EMB), dtype=jnp.float32) * 1.0 + (-1.0)
    W0 = jax.random.normal(ks[4], (2 * EMB, 256), dtype=jnp.float32) * 0.1
    b0 = jax.random.normal(ks[5], (256,), dtype=jnp.float32) * 0.1
    W1 = jax.random.normal(ks[6], (256, 64), dtype=jnp.float32) * 0.1
    b1 = jax.random.normal(ks[7], (64,), dtype=jnp.float32) * 0.1
    W2 = jax.random.normal(ks[8], (64, 1), dtype=jnp.float32) * 0.1
    b2 = jax.random.normal(ks[9], (1,), dtype=jnp.float32) * 0.1
    return {
        'user_id': user_id, 'movie_id': movie_id,
        'user_embeddings': user_embeddings, 'movie_embeddings': movie_embeddings,
        'W0': W0, 'b0': b0, 'W1': W1, 'b1': b1, 'W2': W2, 'b2': b2,
    }

def reference(user_id, movie_id, user_embeddings, movie_embeddings, W0, b0, W1, b1, W2, b2):
    # gather embeddings (use_de=False path)
    user_id_weights = jnp.take(user_embeddings, user_id, axis=0)
    movie_id_weights = jnp.take(movie_embeddings, movie_id, axis=0)
    embeddings = jnp.concatenate([user_id_weights, movie_id_weights], axis=1)
    dnn = jax.nn.relu(embeddings @ W0 + b0)
    dnn = jax.nn.relu(dnn @ W1 + b1)
    dnn = dnn @ W2 + b2
    out = jnp.reshape(dnn, (-1,))
    return out

if __name__ == "__main__":
    import jax
    _d = setup_inputs()
    print(jax.jit(kernel)(*tuple(_d.values())))

</pallas_src>

<mosaic_0001>
#map = affine_map<(d0, d1) -> (0)>
#map1 = affine_map<(d0, d1) -> (0, 0)>
module attributes {stable_mosaic.version = 14 : i64} {
  func.func @_gather_body(%arg0: i32, %arg1: i32, %arg2: memref<16384xi32, #tpu.memory_space<hbm>>, %arg3: memref<16384xi32, #tpu.memory_space<hbm>>, %arg4: memref<10000x32xf32, #tpu.memory_space<hbm>>, %arg5: memref<10000x32xf32, #tpu.memory_space<hbm>>, %arg6: memref<8192x128xf32, #tpu.memory_space<hbm>>, %arg7: memref<512xi32, #tpu.memory_space<vmem>>, %arg8: memref<512xi32, #tpu.memory_space<vmem>>, %arg9: memref<512x32xf32, #tpu.memory_space<vmem>>, %arg10: memref<512x32xf32, #tpu.memory_space<vmem>>, %arg11: memref<!tpu.dma_semaphore, #tpu.memory_space<semaphore_mem>>, %arg12: memref<!tpu.dma_semaphore, #tpu.memory_space<semaphore_mem>>) attributes {dimension_semantics = [#tpu.dimension_semantics<core_parallel>, #tpu.dimension_semantics<subcore_parallel>], iteration_bounds = array<i64: 2, 16>, scalar_prefetch = 0 : i64, scratch_operands = 6 : i64, tpu.core_type = #tpu.core_type<sc_vector_subcore>, window_params = [{transform_indices = #map}, {transform_indices = #map}, {transform_indices = #map1}, {transform_indices = #map1}, {transform_indices = #map1}]} {
    %mul3A = arith.constant 2 : i32
    %mul3A_0 = arith.muli %arg1, %mul3A : i32
    %add3A = arith.addi %mul3A_0, %arg0 : i32
    %mul3A_1 = arith.constant 512 : i32
    %mul3A_2 = arith.muli %add3A, %mul3A_1 : i32
    %jit3A = arith.constant 8192 : i32
    %eq3A = arith.constant 0 : i32
    %eq3A_3 = arith.cmpi eq, %jit3A, %eq3A : i32
    %jit3A_4 = arith.constant 1 : i32
    %select_n3A = arith.select %eq3A_3, %jit3A_4, %jit3A : i32
    %rem3A = arith.remsi %mul3A_2, %select_n3A : i32
    %ne3A = arith.constant 0 : i32
    %ne3A_5 = arith.cmpi ne, %rem3A, %ne3A : i32
    %lt3A = arith.constant 0 : i32
    %lt3A_6 = arith.cmpi slt, %rem3A, %lt3A : i32
    %lt3A_7 = arith.constant 0 : i32
    %lt3A_8 = arith.cmpi slt, %select_n3A, %lt3A_7 : i32
    %ne3A_9 = arith.xori %lt3A_6, %lt3A_8 : i1
    %and3A = arith.andi %ne3A_9, %ne3A_5 : i1
    %add3A_10 = arith.addi %rem3A, %select_n3A : i32
    %select_n3A_11 = arith.select %and3A, %add3A_10, %rem3A : i32
    %jit3A_12 = arith.constant 8192 : i32
    %div3A = arith.divsi %mul3A_2, %jit3A_12 : i32
    %sign3A = arith.constant 0 : i32
    %sign3A_13 = arith.cmpi sgt, %mul3A_2, %sign3A : i32
    %sign3A_14 = arith.extui %sign3A_13 : i1 to i32
    %sign3A_15 = arith.constant 0 : i32
    %sign3A_16 = arith.cmpi slt, %mul3A_2, %sign3A_15 : i32
    %sign3A_17 = arith.extui %sign3A_16 : i1 to i32
    %sign3A_18 = arith.subi %sign3A_14, %sign3A_17 : i32
    %sign3A_19 = arith.constant 0 : i32
    %sign3A_20 = arith.cmpi sgt, %jit3A_12, %sign3A_19 : i32
    %sign3A_21 = arith.extui %sign3A_20 : i1 to i32
    %sign3A_22 = arith.constant 0 : i32
    %sign3A_23 = arith.cmpi slt, %jit3A_12, %sign3A_22 : i32
    %sign3A_24 = arith.extui %sign3A_23 : i1 to i32
    %sign3A_25 = arith.subi %sign3A_21, %sign3A_24 : i32
    %ne3A_26 = arith.cmpi ne, %sign3A_18, %sign3A_25 : i32
    %rem3A_27 = arith.remsi %mul3A_2, %jit3A_12 : i32
    %ne3A_28 = arith.constant 0 : i32
    %ne3A_29 = arith.cmpi ne, %rem3A_27, %ne3A_28 : i32
    %and3A_30 = arith.andi %ne3A_26, %ne3A_29 : i1
    %sub3A = arith.constant 1 : i32
    %sub3A_31 = arith.subi %div3A, %sub3A : i32
    %select_n3A_32 = arith.select %and3A_30, %sub3A_31, %div3A : i32
    %mul3A_33 = arith.constant 64 : i32
    %mul3A_34 = arith.muli %select_n3A_32, %mul3A_33 : i32
    "tpu.region"() ({
      %run_scoped3A = tpu.sem_alloc : memref<!tpu.dma_semaphore, #tpu.memory_space<semaphore_mem>>
      %dma_start3A_163 = tpu.memref_slice %arg2[%mul3A_2] : memref<16384xi32, #tpu.memory_space<hbm>> -> memref<512xi32, #tpu.memory_space<hbm>>
      %dma_start3A_164 = tpu.memref_slice %arg2[%mul3A_2] : memref<16384xi32, #tpu.memory_space<hbm>> -> memref<512xi32, #tpu.memory_space<hbm>>
      tpu.enqueue_dma source(%dma_start3A_164 : memref<512xi32, #tpu.memory_space<hbm>>) target(%arg7 : memref<512xi32, #tpu.memory_space<vmem>>) target_semaphore(%run_scoped3A : memref<!tpu.dma_semaphore, #tpu.memory_space<semaphore_mem>>)
      %dma_wait3A_165 = tpu.memref_slice %arg2[%mul3A_2] : memref<16384xi32, #tpu.memory_space<hbm>> -> memref<512xi32, #tpu.memory_space<hbm>>
      %dma_wait3A_166 = tpu.memref_slice %arg2[%mul3A_2] : memref<16384xi32, #tpu.memory_space<hbm>> -> memref<512xi32, #tpu.memory_space<hbm>>
      tpu.wait_dma2 semaphore(%run_scoped3A : memref<!tpu.dma_semaphore, #tpu.memory_space<semaphore_mem>>) src(%dma_wait3A_166 : memref<512xi32, #tpu.memory_space<hbm>>) dst(%arg7 : memref<512xi32, #tpu.memory_space<vmem>>)
      tpu.yield
    }) : () -> ()
    "tpu.region"() ({
      %run_scoped3A = tpu.sem_alloc : memref<!tpu.dma_semaphore, #tpu.memory_space<semaphore_mem>>
      %dma_start3A_163 = tpu.memref_slice %arg3[%mul3A_2] : memref<16384xi32, #tpu.memory_space<hbm>> -> memref<512xi32, #tpu.memory_space<hbm>>
      %dma_start3A_164 = tpu.memref_slice %arg3[%mul3A_2] : memref<16384xi32, #tpu.memory_space<hbm>> -> memref<512xi32, #tpu.memory_space<hbm>>
      tpu.enqueue_dma source(%dma_start3A_164 : memref<512xi32, #tpu.memory_space<hbm>>) target(%arg8 : memref<512xi32, #tpu.memory_space<vmem>>) target_semaphore(%run_scoped3A : memref<!tpu.dma_semaphore, #tpu.memory_space<semaphore_mem>>)
      %dma_wait3A_165 = tpu.memref_slice %arg3[%mul3A_2] : memref<16384xi32, #tpu.memory_space<hbm>> -> memref<512xi32, #tpu.memory_space<hbm>>
      %dma_wait3A_166 = tpu.memref_slice %arg3[%mul3A_2] : memref<16384xi32, #tpu.memory_space<hbm>> -> memref<512xi32, #tpu.memory_space<hbm>>
      tpu.wait_dma2 semaphore(%run_scoped3A : memref<!tpu.dma_semaphore, #tpu.memory_space<semaphore_mem>>) src(%dma_wait3A_166 : memref<512xi32, #tpu.memory_space<hbm>>) dst(%arg8 : memref<512xi32, #tpu.memory_space<vmem>>)
      tpu.yield
    }) : () -> ()
    %dma_start3A = arith.constant 0 : i32
    %dma_start3A_35 = arith.constant 0 : i32
    %dma_start3A_36 = tpu.memref_slice %arg9[%dma_start3A, %dma_start3A_35] : memref<512x32xf32, #tpu.memory_space<vmem>> -> memref<128x32xf32, #tpu.memory_space<vmem>>
    %dma_start3A_37 = arith.constant 0 : i32
    %dma_start3A_38 = tpu.memref_slice %arg7[%dma_start3A_37] : memref<512xi32, #tpu.memory_space<vmem>> -> memref<128xi32, #tpu.memory_space<vmem>>
    %dma_start3A_39 = arith.constant 0 : i32
    %dma_start3A_40 = arith.constant 0 : i32
    %dma_start3A_41 = tpu.memref_slice %arg4[%dma_start3A_39, %dma_start3A_40] : memref<10000x32xf32, #tpu.memory_space<hbm>> -> memref<10000x32xf32, #tpu.memory_space<hbm>>
    tpu.enqueue_indirect_dma source(%dma_start3A_41 : memref<10000x32xf32, #tpu.memory_space<hbm>>) target(%dma_start3A_36 : memref<128x32xf32, #tpu.memory_space<vmem>>) offsets(%dma_start3A_38 : memref<128xi32, #tpu.memory_space<vmem>>) semaphore(%arg11 : memref<!tpu.dma_semaphore, #tpu.memory_space<semaphore_mem>>)
    %dma_start3A_42 = arith.constant 128 : i32
    %dma_start3A_43 = arith.constant 0 : i32
    %dma_start3A_44 = tpu.memref_slice %arg9[%dma_start3A_42, %dma_start3A_43] : memref<512x32xf32, #tpu.memory_space<vmem>> -> memref<128x32xf32, #tpu.memory_space<vmem>>
    %dma_start3A_45 = arith.constant 128 : i32
    %dma_start3A_46 = tpu.memref_slice %arg7[%dma_start3A_45] : memref<512xi32, #tpu.memory_space<vmem>> -> memref<128xi32, #tpu.memory_space<vmem>>
    %dma_start3A_47 = arith.constant 0 : i32
    %dma_start3A_48 = arith.constant 0 : i32
    %dma_start3A_49 = tpu.memref_slice %arg4[%dma_start3A_47, %dma_start3A_48] : memref<10000x32xf32, #tpu.memory_space<hbm>> -> memref<10000x32xf32, #tpu.memory_space<hbm>>
    tpu.enqueue_indirect_dma source(%dma_start3A_49 : memref<10000x32xf32, #tpu.memory_space<hbm>>) target(%dma_start3A_44 : memref<128x32xf32, #tpu.memory_space<vmem>>) offsets(%dma_start3A_46 : memref<128xi32, #tpu.memory_space<vmem>>) semaphore(%arg11 : memref<!tpu.dma_semaphore, #tpu.memory_space<semaphore_mem>>)
    %dma_start3A_50 = arith.constant 256 : i32
    %dma_start3A_51 = arith.constant 0 : i32
    %dma_start3A_52 = tpu.memref_slice %arg9[%dma_start3A_50, %dma_start3A_51] : memref<512x32xf32, #tpu.memory_space<vmem>> -> memref<128x32xf32, #tpu.memory_space<vmem>>
    %dma_start3A_53 = arith.constant 256 : i32
    %dma_start3A_54 = tpu.memref_slice %arg7[%dma_start3A_53] : memref<512xi32, #tpu.memory_space<vmem>> -> memref<128xi32, #tpu.memory_space<vmem>>
    %dma_start3A_55 = arith.constant 0 : i32
    %dma_start3A_56 = arith.constant 0 : i32
    %dma_start3A_57 = tpu.memref_slice %arg4[%dma_start3A_55, %dma_start3A_56] : memref<10000x32xf32, #tpu.memory_space<hbm>> -> memref<10000x32xf32, #tpu.memory_space<hbm>>
    tpu.enqueue_indirect_dma source(%dma_start3A_57 : memref<10000x32xf32, #tpu.memory_space<hbm>>) target(%dma_start3A_52 : memref<128x32xf32, #tpu.memory_space<vmem>>) offsets(%dma_start3A_54 : memref<128xi32, #tpu.memory_space<vmem>>) semaphore(%arg11 : memref<!tpu.dma_semaphore, #tpu.memory_space<semaphore_mem>>)
    %dma_start3A_58 = arith.constant 384 : i32
    %dma_start3A_59 = arith.constant 0 : i32
    %dma_start3A_60 = tpu.memref_slice %arg9[%dma_start3A_58, %dma_start3A_59] : memref<512x32xf32, #tpu.memory_space<vmem>> -> memref<128x32xf32, #tpu.memory_space<vmem>>
    %dma_start3A_61 = arith.constant 384 : i32
    %dma_start3A_62 = tpu.memref_slice %arg7[%dma_start3A_61] : memref<512xi32, #tpu.memory_space<vmem>> -> memref<128xi32, #tpu.memory_space<vmem>>
    %dma_start3A_63 = arith.constant 0 : i32
    %dma_start3A_64 = arith.constant 0 : i32
    %dma_start3A_65 = tpu.memref_slice %arg4[%dma_start3A_63, %dma_start3A_64] : memref<10000x32xf32, #tpu.memory_space<hbm>> -> memref<10000x32xf32, #tpu.memory_space<hbm>>
    tpu.enqueue_indirect_dma source(%dma_start3A_65 : memref<10000x32xf32, #tpu.memory_space<hbm>>) target(%dma_start3A_60 : memref<128x32xf32, #tpu.memory_space<vmem>>) offsets(%dma_start3A_62 : memref<128xi32, #tpu.memory_space<vmem>>) semaphore(%arg11 : memref<!tpu.dma_semaphore, #tpu.memory_space<semaphore_mem>>)
    %dma_start3A_66 = arith.constant 0 : i32
    %dma_start3A_67 = arith.constant 0 : i32
    %dma_start3A_68 = tpu.memref_slice %arg10[%dma_start3A_66, %dma_start3A_67] : memref<512x32xf32, #tpu.memory_space<vmem>> -> memref<128x32xf32, #tpu.memory_space<vmem>>
    %dma_start3A_69 = arith.constant 0 : i32
    %dma_start3A_70 = tpu.memref_slice %arg8[%dma_start3A_69] : memref<512xi32, #tpu.memory_space<vmem>> -> memref<128xi32, #tpu.memory_space<vmem>>
    %dma_start3A_71 = arith.constant 0 : i32
    %dma_start3A_72 = arith.constant 0 : i32
    %dma_start3A_73 = tpu.memref_slice %arg5[%dma_start3A_71, %dma_start3A_72] : memref<10000x32xf32, #tpu.memory_space<hbm>> -> memref<10000x32xf32, #tpu.memory_space<hbm>>
    tpu.enqueue_indirect_dma source(%dma_start3A_73 : memref<10000x32xf32, #tpu.memory_space<hbm>>) target(%dma_start3A_68 : memref<128x32xf32, #tpu.memory_space<vmem>>) offsets(%dma_start3A_70 : memref<128xi32, #tpu.memory_space<vmem>>) semaphore(%arg12 : memref<!tpu.dma_semaphore, #tpu.memory_space<semaphore_mem>>)
    %dma_start3A_74 = arith.constant 128 : i32
    %dma_start3A_75 = arith.constant 0 : i32
    %dma_start3A_76 = tpu.memref_slice %arg10[%dma_start3A_74, %dma_start3A_75] : memref<512x32xf32, #tpu.memory_space<vmem>> -> memref<128x32xf32, #tpu.memory_space<vmem>>
    %dma_start3A_77 = arith.constant 128 : i32
    %dma_start3A_78 = tpu.memref_slice %arg8[%dma_start3A_77] : memref<512xi32, #tpu.memory_space<vmem>> -> memref<128xi32, #tpu.memory_space<vmem>>
    %dma_start3A_79 = arith.constant 0 : i32
    %dma_start3A_80 = arith.constant 0 : i32
    %dma_start3A_81 = tpu.memref_slice %arg5[%dma_start3A_79, %dma_start3A_80] : memref<10000x32xf32, #tpu.memory_space<hbm>> -> memref<10000x32xf32, #tpu.memory_space<hbm>>
    tpu.enqueue_indirect_dma source(%dma_start3A_81 : memref<10000x32xf32, #tpu.memory_space<hbm>>) target(%dma_start3A_76 : memref<128x32xf32, #tpu.memory_space<vmem>>) offsets(%dma_start3A_78 : memref<128xi32, #tpu.memory_space<vmem>>) semaphore(%arg12 : memref<!tpu.dma_semaphore, #tpu.memory_space<semaphore_mem>>)
    %dma_start3A_82 = arith.constant 256 : i32
    %dma_start3A_83 = arith.constant 0 : i32
    %dma_start3A_84 = tpu.memref_slice %arg10[%dma_start3A_82, %dma_start3A_83] : memref<512x32xf32, #tpu.memory_space<vmem>> -> memref<128x32xf32, #tpu.memory_space<vmem>>
    %dma_start3A_85 = arith.constant 256 : i32
    %dma_start3A_86 = tpu.memref_slice %arg8[%dma_start3A_85] : memref<512xi32, #tpu.memory_space<vmem>> -> memref<128xi32, #tpu.memory_space<vmem>>
    %dma_start3A_87 = arith.constant 0 : i32
    %dma_start3A_88 = arith.constant 0 : i32
    %dma_start3A_89 = tpu.memref_slice %arg5[%dma_start3A_87, %dma_start3A_88] : memref<10000x32xf32, #tpu.memory_space<hbm>> -> memref<10000x32xf32, #tpu.memory_space<hbm>>
    tpu.enqueue_indirect_dma source(%dma_start3A_89 : memref<10000x32xf32, #tpu.memory_space<hbm>>) target(%dma_start3A_84 : memref<128x32xf32, #tpu.memory_space<vmem>>) offsets(%dma_start3A_86 : memref<128xi32, #tpu.memory_space<vmem>>) semaphore(%arg12 : memref<!tpu.dma_semaphore, #tpu.memory_space<semaphore_mem>>)
    %dma_start3A_90 = arith.constant 384 : i32
    %dma_start3A_91 = arith.constant 0 : i32
    %dma_start3A_92 = tpu.memref_slice %arg10[%dma_start3A_90, %dma_start3A_91] : memref<512x32xf32, #tpu.memory_space<vmem>> -> memref<128x32xf32, #tpu.memory_space<vmem>>
    %dma_start3A_93 = arith.constant 384 : i32
    %dma_start3A_94 = tpu.memref_slice %arg8[%dma_start3A_93] : memref<512xi32, #tpu.memory_space<vmem>> -> memref<128xi32, #tpu.memory_space<vmem>>
    %dma_start3A_95 = arith.constant 0 : i32
    %dma_start3A_96 = arith.constant 0 : i32
    %dma_start3A_97 = tpu.memref_slice %arg5[%dma_start3A_95, %dma_start3A_96] : memref<10000x32xf32, #tpu.memory_space<hbm>> -> memref<10000x32xf32, #tpu.memory_space<hbm>>
    tpu.enqueue_indirect_dma source(%dma_start3A_97 : memref<10000x32xf32, #tpu.memory_space<hbm>>) target(%dma_start3A_92 : memref<128x32xf32, #tpu.memory_space<vmem>>) offsets(%dma_start3A_94 : memref<128xi32, #tpu.memory_space<vmem>>) semaphore(%arg12 : memref<!tpu.dma_semaphore, #tpu.memory_space<semaphore_mem>>)
    %dma_wait3A = arith.constant 0 : i32
    %dma_wait3A_98 = arith.constant 0 : i32
    %dma_wait3A_99 = tpu.memref_slice %arg9[%dma_wait3A, %dma_wait3A_98] : memref<512x32xf32, #tpu.memory_space<vmem>> -> memref<128x32xf32, #tpu.memory_space<vmem>>
    %dma_wait3A_100 = arith.constant 0 : i32
    %dma_wait3A_101 = tpu.memref_slice %arg7[%dma_wait3A_100] : memref<512xi32, #tpu.memory_space<vmem>> -> memref<128xi32, #tpu.memory_space<vmem>>
    %dma_wait3A_102 = arith.constant 0 : i32
    %dma_wait3A_103 = arith.constant 0 : i32
    %dma_wait3A_104 = tpu.memref_slice %arg4[%dma_wait3A_102, %dma_wait3A_103] : memref<10000x32xf32, #tpu.memory_space<hbm>> -> memref<10000x32xf32, #tpu.memory_space<hbm>>
    tpu.wait_indirect_dma semaphore(%arg11 : memref<!tpu.dma_semaphore, #tpu.memory_space<semaphore_mem>>) src(%dma_wait3A_104 : memref<10000x32xf32, #tpu.memory_space<hbm>>) dst(%dma_wait3A_99 : memref<128x32xf32, #tpu.memory_space<vmem>>)
    %dma_wait3A_105 = arith.constant 128 : i32
    %dma_wait3A_106 = arith.constant 0 : i32
    %dma_wait3A_107 = tpu.memref_slice %arg9[%dma_wait3A_105, %dma_wait3A_106] : memref<512x32xf32, #tpu.memory_space<vmem>> -> memref<128x32xf32, #tpu.memory_space<vmem>>
    %dma_wait3A_108 = arith.constant 128 : i32
    %dma_wait3A_109 = tpu.memref_slice %arg7[%dma_wait3A_108] : memref<512xi32, #tpu.memory_space<vmem>> -> memref<128xi32, #tpu.memory_space<vmem>>
    %dma_wait3A_110 = arith.constant 0 : i32
    %dma_wait3A_111 = arith.constant 0 : i32
    %dma_wait3A_112 = tpu.memref_slice %arg4[%dma_wait3A_110, %dma_wait3A_111] : memref<10000x32xf32, #tpu.memory_space<hbm>> -> memref<10000x32xf32, #tpu.memory_space<hbm>>
    tpu.wait_indirect_dma semaphore(%arg11 : memref<!tpu.dma_semaphore, #tpu.memory_space<semaphore_mem>>) src(%dma_wait3A_112 : memref<10000x32xf32, #tpu.memory_space<hbm>>) dst(%dma_wait3A_107 : memref<128x32xf32, #tpu.memory_space<vmem>>)
    %dma_wait3A_113 = arith.constant 256 : i32
    %dma_wait3A_114 = arith.constant 0 : i32
    %dma_wait3A_115 = tpu.memref_slice %arg9[%dma_wait3A_113, %dma_wait3A_114] : memref<512x32xf32, #tpu.memory_space<vmem>> -> memref<128x32xf32, #tpu.memory_space<vmem>>
    %dma_wait3A_116 = arith.constant 256 : i32
    %dma_wait3A_117 = tpu.memref_slice %arg7[%dma_wait3A_116] : memref<512xi32, #tpu.memory_space<vmem>> -> memref<128xi32, #tpu.memory_space<vmem>>
    %dma_wait3A_118 = arith.constant 0 : i32
    %dma_wait3A_119 = arith.constant 0 : i32
    %dma_wait3A_120 = tpu.memref_slice %arg4[%dma_wait3A_118, %dma_wait3A_119] : memref<10000x32xf32, #tpu.memory_space<hbm>> -> memref<10000x32xf32, #tpu.memory_space<hbm>>
    tpu.wait_indirect_dma semaphore(%arg11 : memref<!tpu.dma_semaphore, #tpu.memory_space<semaphore_mem>>) src(%dma_wait3A_120 : memref<10000x32xf32, #tpu.memory_space<hbm>>) dst(%dma_wait3A_115 : memref<128x32xf32, #tpu.memory_space<vmem>>)
    %dma_wait3A_121 = arith.constant 384 : i32
    %dma_wait3A_122 = arith.constant 0 : i32
    %dma_wait3A_123 = tpu.memref_slice %arg9[%dma_wait3A_121, %dma_wait3A_122] : memref<512x32xf32, #tpu.memory_space<vmem>> -> memref<128x32xf32, #tpu.memory_space<vmem>>
    %dma_wait3A_124 = arith.constant 384 : i32
    %dma_wait3A_125 = tpu.memref_slice %arg7[%dma_wait3A_124] : memref<512xi32, #tpu.memory_space<vmem>> -> memref<128xi32, #tpu.memory_space<vmem>>
    %dma_wait3A_126 = arith.constant 0 : i32
    %dma_wait3A_127 = arith.constant 0 : i32
    %dma_wait3A_128 = tpu.memref_slice %arg4[%dma_wait3A_126, %dma_wait3A_127] : memref<10000x32xf32, #tpu.memory_space<hbm>> -> memref<10000x32xf32, #tpu.memory_space<hbm>>
    tpu.wait_indirect_dma semaphore(%arg11 : memref<!tpu.dma_semaphore, #tpu.memory_space<semaphore_mem>>) src(%dma_wait3A_128 : memref<10000x32xf32, #tpu.memory_space<hbm>>) dst(%dma_wait3A_123 : memref<128x32xf32, #tpu.memory_space<vmem>>)
    "tpu.region"() ({
      %run_scoped3A = tpu.sem_alloc : memref<!tpu.dma_semaphore, #tpu.memory_space<semaphore_mem>>
      %dma_start3A_163 = tpu.memref_slice %arg6[%select_n3A_11, %mul3A_34] : memref<8192x128xf32, #tpu.memory_space<hbm>> -> memref<512x32xf32, #tpu.memory_space<hbm>>
      %dma_start3A_164 = tpu.memref_slice %arg6[%select_n3A_11, %mul3A_34] : memref<8192x128xf32, #tpu.memory_space<hbm>> -> memref<512x32xf32, #tpu.memory_space<hbm>>
      tpu.enqueue_dma source(%arg9 : memref<512x32xf32, #tpu.memory_space<vmem>>) target(%dma_start3A_164 : memref<512x32xf32, #tpu.memory_space<hbm>>) target_semaphore(%run_scoped3A : memref<!tpu.dma_semaphore, #tpu.memory_space<semaphore_mem>>)
      %dma_wait3A_165 = tpu.memref_slice %arg6[%select_n3A_11, %mul3A_34] : memref<8192x128xf32, #tpu.memory_space<hbm>> -> memref<512x32xf32, #tpu.memory_space<hbm>>
      %dma_wait3A_166 = tpu.memref_slice %arg6[%select_n3A_11, %mul3A_34] : memref<8192x128xf32, #tpu.memory_space<hbm>> -> memref<512x32xf32, #tpu.memory_space<hbm>>
      tpu.wait_dma2 semaphore(%run_scoped3A : memref<!tpu.dma_semaphore, #tpu.memory_space<semaphore_mem>>) src(%arg9 : memref<512x32xf32, #tpu.memory_space<vmem>>) dst(%dma_wait3A_166 : memref<512x32xf32, #tpu.memory_space<hbm>>)
      tpu.yield
    }) : () -> ()
    %dma_wait3A_129 = arith.constant 0 : i32
    %dma_wait3A_130 = arith.constant 0 : i32
    %dma_wait3A_131 = tpu.memref_slice %arg10[%dma_wait3A_129, %dma_wait3A_130] : memref<512x32xf32, #tpu.memory_space<vmem>> -> memref<128x32xf32, #tpu.memory_space<vmem>>
    %dma_wait3A_132 = arith.constant 0 : i32
    %dma_wait3A_133 = tpu.memref_slice %arg8[%dma_wait3A_132] : memref<512xi32, #tpu.memory_space<vmem>> -> memref<128xi32, #tpu.memory_space<vmem>>
    %dma_wait3A_134 = arith.constant 0 : i32
    %dma_wait3A_135 = arith.constant 0 : i32
    %dma_wait3A_136 = tpu.memref_slice %arg5[%dma_wait3A_134, %dma_wait3A_135] : memref<10000x32xf32, #tpu.memory_space<hbm>> -> memref<10000x32xf32, #tpu.memory_space<hbm>>
    tpu.wait_indirect_dma semaphore(%arg12 : memref<!tpu.dma_semaphore, #tpu.memory_space<semaphore_mem>>) src(%dma_wait3A_136 : memref<10000x32xf32, #tpu.memory_space<hbm>>) dst(%dma_wait3A_131 : memref<128x32xf32, #tpu.memory_space<vmem>>)
    %dma_wait3A_137 = arith.constant 128 : i32
    %dma_wait3A_138 = arith.constant 0 : i32
    %dma_wait3A_139 = tpu.memref_slice %arg10[%dma_wait3A_137, %dma_wait3A_138] : memref<512x32xf32, #tpu.memory_space<vmem>> -> memref<128x32xf32, #tpu.memory_space<vmem>>
    %dma_wait3A_140 = arith.constant 128 : i32
    %dma_wait3A_141 = tpu.memref_slice %arg8[%dma_wait3A_140] : memref<512xi32, #tpu.memory_space<vmem>> -> memref<128xi32, #tpu.memory_space<vmem>>
    %dma_wait3A_142 = arith.constant 0 : i32
    %dma_wait3A_143 = arith.constant 0 : i32
    %dma_wait3A_144 = tpu.memref_slice %arg5[%dma_wait3A_142, %dma_wait3A_143] : memref<10000x32xf32, #tpu.memory_space<hbm>> -> memref<10000x32xf32, #tpu.memory_space<hbm>>
    tpu.wait_indirect_dma semaphore(%arg12 : memref<!tpu.dma_semaphore, #tpu.memory_space<semaphore_mem>>) src(%dma_wait3A_144 : memref<10000x32xf32, #tpu.memory_space<hbm>>) dst(%dma_wait3A_139 : memref<128x32xf32, #tpu.memory_space<vmem>>)
    %dma_wait3A_145 = arith.constant 256 : i32
    %dma_wait3A_146 = arith.constant 0 : i32
    %dma_wait3A_147 = tpu.memref_slice %arg10[%dma_wait3A_145, %dma_wait3A_146] : memref<512x32xf32, #tpu.memory_space<vmem>> -> memref<128x32xf32, #tpu.memory_space<vmem>>
    %dma_wait3A_148 = arith.constant 256 : i32
    %dma_wait3A_149 = tpu.memref_slice %arg8[%dma_wait3A_148] : memref<512xi32, #tpu.memory_space<vmem>> -> memref<128xi32, #tpu.memory_space<vmem>>
    %dma_wait3A_150 = arith.constant 0 : i32
    %dma_wait3A_151 = arith.constant 0 : i32
    %dma_wait3A_152 = tpu.memref_slice %arg5[%dma_wait3A_150, %dma_wait3A_151] : memref<10000x32xf32, #tpu.memory_space<hbm>> -> memref<10000x32xf32, #tpu.memory_space<hbm>>
    tpu.wait_indirect_dma semaphore(%arg12 : memref<!tpu.dma_semaphore, #tpu.memory_space<semaphore_mem>>) src(%dma_wait3A_152 : memref<10000x32xf32, #tpu.memory_space<hbm>>) dst(%dma_wait3A_147 : memref<128x32xf32, #tpu.memory_space<vmem>>)
    %dma_wait3A_153 = arith.constant 384 : i32
    %dma_wait3A_154 = arith.constant 0 : i32
    %dma_wait3A_155 = tpu.memref_slice %arg10[%dma_wait3A_153, %dma_wait3A_154] : memref<512x32xf32, #tpu.memory_space<vmem>> -> memref<128x32xf32, #tpu.memory_space<vmem>>
    %dma_wait3A_156 = arith.constant 384 : i32
    %dma_wait3A_157 = tpu.memref_slice %arg8[%dma_wait3A_156] : memref<512xi32, #tpu.memory_space<vmem>> -> memref<128xi32, #tpu.memory_space<vmem>>
    %dma_wait3A_158 = arith.constant 0 : i32
    %dma_wait3A_159 = arith.constant 0 : i32
    %dma_wait3A_160 = tpu.memref_slice %arg5[%dma_wait3A_158, %dma_wait3A_159] : memref<10000x32xf32, #tpu.memory_space<hbm>> -> memref<10000x32xf32, #tpu.memory_space<hbm>>
    tpu.wait_indirect_dma semaphore(%arg12 : memref<!tpu.dma_semaphore, #tpu.memory_space<semaphore_mem>>) src(%dma_wait3A_160 : memref<10000x32xf32, #tpu.memory_space<hbm>>) dst(%dma_wait3A_155 : memref<128x32xf32, #tpu.memory_space<vmem>>)
    %add3A_161 = arith.constant 32 : i32
    %add3A_162 = arith.addi %mul3A_34, %add3A_161 : i32
    "tpu.region"() ({
      %run_scoped3A = tpu.sem_alloc : memref<!tpu.dma_semaphore, #tpu.memory_space<semaphore_mem>>
      %dma_start3A_163 = tpu.memref_slice %arg6[%select_n3A_11, %add3A_162] : memref<8192x128xf32, #tpu.memory_space<hbm>> -> memref<512x32xf32, #tpu.memory_space<hbm>>
      %dma_start3A_164 = tpu.memref_slice %arg6[%select_n3A_11, %add3A_162] : memref<8192x128xf32, #tpu.memory_space<hbm>> -> memref<512x32xf32, #tpu.memory_space<hbm>>
      tpu.enqueue_dma source(%arg10 : memref<512x32xf32, #tpu.memory_space<vmem>>) target(%dma_start3A_164 : memref<512x32xf32, #tpu.memory_space<hbm>>) target_semaphore(%run_scoped3A : memref<!tpu.dma_semaphore, #tpu.memory_space<semaphore_mem>>)
      %dma_wait3A_165 = tpu.memref_slice %arg6[%select_n3A_11, %add3A_162] : memref<8192x128xf32, #tpu.memory_space<hbm>> -> memref<512x32xf32, #tpu.memory_space<hbm>>
      %dma_wait3A_166 = tpu.memref_slice %arg6[%select_n3A_11, %add3A_162] : memref<8192x128xf32, #tpu.memory_space<hbm>> -> memref<512x32xf32, #tpu.memory_space<hbm>>
      tpu.wait_dma2 semaphore(%run_scoped3A : memref<!tpu.dma_semaphore, #tpu.memory_space<semaphore_mem>>) src(%arg10 : memref<512x32xf32, #tpu.memory_space<vmem>>) dst(%dma_wait3A_166 : memref<512x32xf32, #tpu.memory_space<hbm>>)
      tpu.yield
    }) : () -> ()
    return
  }
}

module attributes {stable_mosaic.version = 14 : i64} {
  func.func @_mlp_body(%arg0: memref<8192x128xf32, #tpu.memory_space<vmem>>, %arg1: memref<64x256xf32, #tpu.memory_space<vmem>>, %arg2: memref<256xf32, #tpu.memory_space<vmem>>, %arg3: memref<256x64xf32, #tpu.memory_space<vmem>>, %arg4: memref<64xf32, #tpu.memory_space<vmem>>, %arg5: memref<1x64xf32, #tpu.memory_space<vmem>>, %arg6: memref<1xf32, #tpu.memory_space<vmem>>, %arg7: memref<16384xf32, #tpu.memory_space<vmem>>) attributes {dimension_semantics = [], scalar_prefetch = 0 : i64, scratch_operands = 0 : i64, tpu.core_type = #tpu.core_type<tc>} {
    %get3A = arith.constant 0 : index
    %get3A_0 = arith.constant 0 : index
    %get3A_1 = vector.load %arg0[%get3A, %get3A_0] : memref<8192x128xf32, #tpu.memory_space<vmem>>, vector<8192x64xf32>
    %get3A_2 = arith.constant 0 : index
    %get3A_3 = arith.constant 0 : index
    %get3A_4 = vector.load %arg1[%get3A_2, %get3A_3] : memref<64x256xf32, #tpu.memory_space<vmem>>, vector<64x256xf32>
    %dot_general3A = arith.constant dense<0.000000e+00> : vector<8192x256xf32>
    %dot_general3A_5 = tpu.matmul %get3A_1, %get3A_4, %dot_general3A {dimension_numbers = #tpu.dot_dimension_numbers<[1], [0], [0], [1], [0, 0, 1, 1], [], []>, transpose_lhs_hint = false} : vector<8192x64xf32>, vector<64x256xf32>, vector<8192x256xf32> -> vector<8192x256xf32>
    %get3A_6 = arith.constant 0 : index
    %get3A_7 = vector.load %arg2[%get3A_6] : memref<256xf32, #tpu.memory_space<vmem>>, vector<256xf32>
    %broadcast_in_dim3A = vector.shape_cast %get3A_7 : vector<256xf32> to vector<1x256xf32>
    %add3A = vector.broadcast %broadcast_in_dim3A : vector<1x256xf32> to vector<8192x256xf32>
    %add3A_8 = arith.addf %dot_general3A_5, %add3A : vector<8192x256xf32>
    %max3A = arith.constant 0.000000e+00 : f32
    %max3A_9 = vector.broadcast %max3A : f32 to vector<8192x256xf32>
    %max3A_10 = arith.maximumf %add3A_8, %max3A_9 : vector<8192x256xf32>
    %get3A_11 = arith.constant 0 : index
    %get3A_12 = arith.constant 0 : index
    %get3A_13 = vector.load %arg3[%get3A_11, %get3A_12] : memref<256x64xf32, #tpu.memory_space<vmem>>, vector<256x64xf32>
    %dot_general3A_14 = arith.constant dense<0.000000e+00> : vector<8192x64xf32>
    %dot_general3A_15 = tpu.matmul %max3A_10, %get3A_13, %dot_general3A_14 {dimension_numbers = #tpu.dot_dimension_numbers<[1], [0], [0], [1], [0, 0, 1, 1], [], []>, transpose_lhs_hint = false} : vector<8192x256xf32>, vector<256x64xf32>, vector<8192x64xf32> -> vector<8192x64xf32>
    %get3A_16 = arith.constant 0 : index
    %get3A_17 = vector.load %arg4[%get3A_16] : memref<64xf32, #tpu.memory_space<vmem>>, vector<64xf32>
    %broadcast_in_dim3A_18 = vector.shape_cast %get3A_17 : vector<64xf32> to vector<1x64xf32>
    %add3A_19 = vector.broadcast %broadcast_in_dim3A_18 : vector<1x64xf32> to vector<8192x64xf32>
    %add3A_20 = arith.addf %dot_general3A_15, %add3A_19 : vector<8192x64xf32>
    %max3A_21 = arith.constant 0.000000e+00 : f32
    %max3A_22 = vector.broadcast %max3A_21 : f32 to vector<8192x64xf32>
    %max3A_23 = arith.maximumf %add3A_20, %max3A_22 : vector<8192x64xf32>
    %get3A_24 = arith.constant 0 : index
    %get3A_25 = arith.constant 0 : index
    %get3A_26 = vector.load %arg5[%get3A_24, %get3A_25] : memref<1x64xf32, #tpu.memory_space<vmem>>, vector<1x64xf32>
    %dot_general3A_27 = arith.constant dense<0.000000e+00> : vector<1x8192xf32>
    %dot_general3A_28 = tpu.matmul %get3A_26, %max3A_23, %dot_general3A_27 {dimension_numbers = #tpu.dot_dimension_numbers<[1], [1], [0], [0], [0, 0, 1, 0], [], []>, transpose_lhs_hint = false} : vector<1x64xf32>, vector<8192x64xf32>, vector<1x8192xf32> -> vector<1x8192xf32>
    %squeeze3A = vector.shape_cast %dot_general3A_28 : vector<1x8192xf32> to vector<8192xf32>
    %get3A_29 = arith.constant 0 : index
    %get3A_30 = vector.load %arg6[%get3A_29] : memref<1xf32, #tpu.memory_space<vmem>>, vector<1xf32>
    %get3A_31 = vector.extract %get3A_30[0] : f32 from vector<1xf32>
    %add3A_32 = vector.broadcast %get3A_31 : f32 to vector<8192xf32>
    %add3A_33 = arith.addf %squeeze3A, %add3A_32 : vector<8192xf32>
    %swap3A = arith.constant 0 : index
    %swap3A_34 = vector.load %arg7[%swap3A] : memref<16384xf32, #tpu.memory_space<vmem>>, vector<8192xf32>
    tpu.vector_store %arg7[%swap3A], %add3A_33 {strides = array<i32>} : memref<16384xf32, #tpu.memory_space<vmem>>, vector<8192xf32>,
    %get3A_35 = arith.constant 0 : index
    %get3A_36 = arith.constant 64 : index
    %get3A_37 = vector.load %arg0[%get3A_35, %get3A_36] : memref<8192x128xf32, #tpu.memory_space<vmem>>, vector<8192x64xf32>
    %get3A_38 = arith.constant 0 : index
    %get3A_39 = arith.constant 0 : index
    %get3A_40 = vector.load %arg1[%get3A_38, %get3A_39] : memref<64x256xf32, #tpu.memory_space<vmem>>, vector<64x256xf32>
    %dot_general3A_41 = arith.constant dense<0.000000e+00> : vector<8192x256xf32>
    %dot_general3A_42 = tpu.matmul %get3A_37, %get3A_40, %dot_general3A_41 {dimension_numbers = #tpu.dot_dimension_numbers<[1], [0], [0], [1], [0, 0, 1, 1], [], []>, transpose_lhs_hint = false} : vector<8192x64xf32>, vector<64x256xf32>, vector<8192x256xf32> -> vector<8192x256xf32>
    %get3A_43 = arith.constant 0 : index
    %get3A_44 = vector.load %arg2[%get3A_43] : memref<256xf32, #tpu.memory_space<vmem>>, vector<256xf32>
    %broadcast_in_dim3A_45 = vector.shape_cast %get3A_44 : vector<256xf32> to vector<1x256xf32>
    %add3A_46 = vector.broadcast %broadcast_in_dim3A_45 : vector<1x256xf32> to vector<8192x256xf32>
    %add3A_47 = arith.addf %dot_general3A_42, %add3A_46 : vector<8192x256xf32>
    %max3A_48 = arith.constant 0.000000e+00 : f32
    %max3A_49 = vector.broadcast %max3A_48 : f32 to vector<8192x256xf32>
    %max3A_50 = arith.maximumf %add3A_47, %max3A_49 : vector<8192x256xf32>
    %get3A_51 = arith.constant 0 : index
    %get3A_52 = arith.constant 0 : index
    %get3A_53 = vector.load %arg3[%get3A_51, %get3A_52] : memref<256x64xf32, #tpu.memory_space<vmem>>, vector<256x64xf32>
    %dot_general3A_54 = arith.constant dense<0.000000e+00> : vector<8192x64xf32>
    %dot_general3A_55 = tpu.matmul %max3A_50, %get3A_53, %dot_general3A_54 {dimension_numbers = #tpu.dot_dimension_numbers<[1], [0], [0], [1], [0, 0, 1, 1], [], []>, transpose_lhs_hint = false} : vector<8192x256xf32>, vector<256x64xf32>, vector<8192x64xf32> -> vector<8192x64xf32>
    %get3A_56 = arith.constant 0 : index
    %get3A_57 = vector.load %arg4[%get3A_56] : memref<64xf32, #tpu.memory_space<vmem>>, vector<64xf32>
    %broadcast_in_dim3A_58 = vector.shape_cast %get3A_57 : vector<64xf32> to vector<1x64xf32>
    %add3A_59 = vector.broadcast %broadcast_in_dim3A_58 : vector<1x64xf32> to vector<8192x64xf32>
    %add3A_60 = arith.addf %dot_general3A_55, %add3A_59 : vector<8192x64xf32>
    %max3A_61 = arith.constant 0.000000e+00 : f32
    %max3A_62 = vector.broadcast %max3A_61 : f32 to vector<8192x64xf32>
    %max3A_63 = arith.maximumf %add3A_60, %max3A_62 : vector<8192x64xf32>
    %get3A_64 = arith.constant 0 : index
    %get3A_65 = arith.constant 0 : index
    %get3A_66 = vector.load %arg5[%get3A_64, %get3A_65] : memref<1x64xf32, #tpu.memory_space<vmem>>, vector<1x64xf32>
    %dot_general3A_67 = arith.constant dense<0.000000e+00> : vector<1x8192xf32>
    %dot_general3A_68 = tpu.matmul %get3A_66, %max3A_63, %dot_general3A_67 {dimension_numbers = #tpu.dot_dimension_numbers<[1], [1], [0], [0], [0, 0, 1, 0], [], []>, transpose_lhs_hint = false} : vector<1x64xf32>, vector<8192x64xf32>, vector<1x8192xf32> -> vector<1x8192xf32>
    %squeeze3A_69 = vector.shape_cast %dot_general3A_68 : vector<1x8192xf32> to vector<8192xf32>
    %get3A_70 = arith.constant 0 : index
    %get3A_71 = vector.load %arg6[%get3A_70] : memref<1xf32, #tpu.memory_space<vmem>>, vector<1xf32>
    %get3A_72 = vector.extract %get3A_71[0] : f32 from vector<1xf32>
    %add3A_73 = vector.broadcast %get3A_72 : f32 to vector<8192xf32>
    %add3A_74 = arith.addf %squeeze3A_69, %add3A_73 : vector<8192xf32>
    %swap3A_75 = arith.constant 8192 : index
    %swap3A_76 = vector.load %arg7[%swap3A_75] : memref<16384xf32, #tpu.memory_space<vmem>>, vector<8192xf32>
    tpu.vector_store %arg7[%swap3A_75], %add3A_74 {strides = array<i32>} : memref<16384xf32, #tpu.memory_space<vmem>>, vector<8192xf32>,
    return
  }
}

</mosaic_0001>

<sc_bundles>
// kernel: kernel.4.cloned.1.call-start
scs
__scs_entry_jumppad:
0x0: {  	(pc) =	sbr.rel $0x88, $3  }
0x1: {  	(tag) =	ssettag $0x0;
	lr =	simm.s32 $0x1  }
0x2: {  	[smem:$0x3F97] =	sst lr;
	_ =	strace $0xD0000000  }
0x3: {  	_ = 	snop  }
0x4: {  	_ = 	snop  }
0x5: {  	_ = 	snop  }
0x6: {  	_ = 	snop  }
0x7: {  	_ = 	snop  }
__scs_overlays_trampoline_lowered:
0x8: {  	[smem:$0x3FA6] =	sst s0  }
0x9: {  	[smem:$0x3FA7] =	sst s1  }
0xa: {  	[smem:$0x3FA8] =	sst s2  }
0xb: {  	[smem:$0x3FA9] =	sst s3  }
0xc: {  	[smem:$0x3FAA] =	sst s4  }
0xd: {  	[smem:$0x3FAB] =	sst s5  }
0xe: {  	[smem:$0x3FAC] =	sst s6  }
0xf: {  	[smem:$0x3FAD] =	sst s7  }
0x10: {  	[smem:$0x3FAE] =	sst s8  }
0x11: {  	[smem:$0x3FAF] =	sst s9;
	s0 =	simm.s32 @!p0 $0x0  }
0x12: {  	s1 =	sld [smem:$0x3F95];
	s0 =	simm.s32 @p0 $0x1  }
0x13: {  	[smem:$0x3FB0] =	sst s0;
	s0 =	simm.s32 @!p1 $0x0  }
0x14: {  	s2 =	sld [smem:$0x3F94];
	s0 =	simm.s32 @p1 $0x1  }
0x15: {  	[smem:$0x3FB1] =	sst s0;
	s0 =	simm.s32 @!p2 $0x0  }
0x16: {  	s3 =	sld [smem:$0x3FDB];
	s0 =	simm.s32 @p2 $0x1  }
0x17: {  	s4 =	simm.s32 $0x1BF5;
	[smem:$0x3FB3] =	sst s0  }
0x18: {  	s0 =	sld [smem:$0x3F96];
	_ =	swait.ge [sflag:s4], $0x0  }
0x19: {  	s7 =	sld [smem:$0x3F97]  }
0x1a: {  	s8 =	sadd.s32 $0xFFFFE003, lr  }
0x1b: {  	s9 =	sadd.s32 $0xFFFFFEF7, lr;
	s5 =	simm.s32 $0xFFFFFFFF;
	p2 =	slt.u32 s8, $0xFFFFF086  }
0x1c: {  	p1 =	slt.u32 s9, $0xF7A;
	s5 =	simm.s32 @!p2 $0x0  }
0x1d: {  	s5 =	simm.s32 @p1 $0x1;
	p0 =	seq.s32 s7, s2  }
0x1e: {  	s7 =	smul.u32 @!p0 $0xF7A, s2;
	p2 =	seq.s32 @!p0 s5, $0x0  }
0x1f: {  	s9 =	smul.u32 $0xF7A, s1;
	s8 =	simm.s32 @!p0 $0x1BF5;
	p2 =	por !p2, p0  }
0x20: {  	[sflag:s8] =	ssyncset.s32 @!p0 $0xFFFFF086;
	s6 =	sadd.s32 @!p0 s3, s7;
	s7 =	simm.s32 @!p0 $0x108  }
0x21: {  	s3 =	sadd.s32 s3, s9;
	s6 =	sadd.s32 @!p0 $0x88, s6;
	s7 =	simm.s32 @p2 $0x1082  }
0x22: {  	[simem:s7], [sflag:s8] =	dma.local @!p0 [hbm:s6], $0xF7A  }
0x23: {  	s9 =	sor.u32 $0xD0000000, s2;
	s6 =	simm.s32 $0x108;
	_ =	swait.ge @!p0 [sflag:s8], $0x0  }
0x24: {  	s3 =	sadd.s32 $0x88, s3;
	s6 =	simm.s32 @!p1 $0x1082;
	[sflag:s4] =	ssyncset.s32 $0xFFFFF086  }
0x25: {  	[simem:s6], [sflag:s4] =	dma.local [hbm:s3], $0xF7A  }
0x26: {  	[smem:$0x3F97] =	sst s1;
	(tag) =	ssettag s2;
	_ =	strace s9  }
0x27: {  	s1 =	sld [smem:$0x3FA7]  }
0x28: {  	s2 =	sld [smem:$0x3FA8]  }
0x29: {  	s4 =	sld [smem:$0x3FAA]  }
0x2a: {  	p0 =	seq.s32 s5, $0x0;
	s5 =	sld [smem:$0x3FAB]  }
0x2b: {  	s6 =	sld [smem:$0x3FAC]  }
0x2c: {  	s7 =	sld [smem:$0x3FAD]  }
0x2d: {  	s3 =	simm.s32 $0x108;
	s8 =	sld [smem:$0x3FAE]  }
0x2e: {  	s3 =	simm.s32 @!p0 $0x1082;
	s9 =	sld [smem:$0x3FAF]  }
0x2f: {  	lr =	sadd.s32 s0, s3;
	s0 =	sld [smem:$0x3FA6]  }
0x30: {  	s3 =	sld [smem:$0x3FA9]  }
0x31: {  	[smem:$0x3FB2] =	sst s10  }
0x32: {  	s10 =	sld [smem:$0x3FB0];
	_ =	sdelay $0x3  }
0x33: {  	p0 =	seq.s32 s10, $0x1;
	s10 =	sld [smem:$0x3FB2];
	_ =	sdelay $0x3  }
0x34: {  	[smem:$0x3FB2] =	sst s10  }
0x35: {  	s10 =	sld [smem:$0x3FB1];
	_ =	sdelay $0x3  }
0x36: {  	p1 =	seq.s32 s10, $0x1;
	s10 =	sld [smem:$0x3FB2];
	_ =	sdelay $0x3  }
0x37: {  	[smem:$0x3FB2] =	sst s10  }
0x38: {  	s10 =	sld [smem:$0x3FB3]  }
0x39: {  	_ = 	snop;
	(pc) =	sbr.ind lr, $3  }
0x3a: {  	_ = 	snop  }
0x3b: {  	_ = 	snop  }
0x3c: {  	p2 =	seq.s32 s10, $0x1;
	s10 =	sld [smem:$0x3FB2]  }
0x3d: {  	_ =	shalt  }
0x3e: {  	_ =	shalt  }
0x3f: {  	_ =	shalt  }
0x40: {  	_ =	shalt  }
0x41: {  	_ =	shalt  }
0x42: {  	_ =	shalt  }
0x43: {  	_ =	shalt  }
0x44: {  	_ =	shalt  }
0x45: {  	_ =	shalt  }
0x46: {  	_ =	shalt  }
0x47: {  	_ =	shalt  }
0x48: {  	_ =	shalt  }
0x49: {  	_ =	shalt  }
0x4a: {  	_ =	shalt  }
0x4b: {  	_ =	shalt  }
0x4c: {  	_ =	shalt  }
0x4d: {  	_ =	shalt  }
0x4e: {  	_ =	shalt  }
0x4f: {  	_ =	shalt  }
0x50: {  	_ =	shalt  }
0x51: {  	_ =	shalt  }
0x52: {  	_ =	shalt  }
0x53: {  	_ =	shalt  }
0x54: {  	_ =	shalt  }
0x55: {  	_ =	shalt  }
0x56: {  	_ =	shalt  }
0x57: {  	_ =	shalt  }
0x58: {  	_ =	shalt  }
0x59: {  	_ =	shalt  }
0x5a: {  	_ =	shalt  }
0x5b: {  	_ =	shalt  }
0x5c: {  	_ =	shalt  }
0x5d: {  	_ =	shalt  }
0x5e: {  	_ =	shalt  }
0x5f: {  	_ =	shalt  }
0x60: {  	_ =	shalt  }
0x61: {  	_ =	shalt  }
0x62: {  	_ =	shalt  }
0x63: {  	_ =	shalt  }
0x64: {  	_ =	shalt  }
0x65: {  	_ =	shalt  }
0x66: {  	_ =	shalt  }
0x67: {  	_ =	shalt  }
0x68: {  	_ =	shalt  }
0x69: {  	_ =	shalt  }
0x6a: {  	_ =	shalt  }
0x6b: {  	_ =	shalt  }
0x6c: {  	_ =	shalt  }
0x6d: {  	_ =	shalt  }
0x6e: {  	_ =	shalt  }
0x6f: {  	_ =	shalt  }
0x70: {  	_ =	shalt  }
0x71: {  	_ =	shalt  }
0x72: {  	_ =	shalt  }
0x73: {  	_ =	shalt  }
0x74: {  	_ =	shalt  }
0x75: {  	_ =	shalt  }
0x76: {  	_ =	shalt  }
0x77: {  	_ =	shalt  }
0x78: {  	_ =	shalt  }
0x79: {  	_ =	shalt  }
0x7a: {  	_ =	shalt  }
0x7b: {  	_ =	shalt  }
0x7c: {  	_ =	shalt  }
0x7d: {  	_ =	shalt  }
0x7e: {  	_ =	shalt  }
0x7f: {  	_ =	shalt  }
0x80: {  	_ =	shalt  }
0x81: {  	_ =	shalt  }
0x82: {  	_ =	shalt  }
0x83: {  	_ =	shalt  }
0x84: {  	_ =	shalt  }
0x85: {  	_ =	shalt  }
0x86: {  	_ =	shalt  }
0x87: {  	_ =	shalt  }
.Lfunc_end0:
.L_simem_size_0:
called_computation_lowered:
.L_overlay_start_0:
0x88: {  	s2 =	sld [smem:$0x3FD9]  }
0x89: {  	s3 =	sld [smem:$0x3FFE];
	_ =	sdelay $0x1  }
0x8a: {  	s1 =	srdreg.scid  }
0x8b: {  	s0 =	sand.u32 $0x1, s1  }
0x8c: {  	s17 =	sshll.u32 s0, $0xA;
	s2 =	sadd.s32 s3, s2  }
0x8d: {  	s2 =	sadd.s32 s2, s17  }
0x8e: {  	[smem:$0x3FBE] =	sst s2  }
0x8f: {  	_ = 	snop  }
0x90: {  	s2 =	sld [smem:$0x3FC9]  }
0x91: {  	s18 =	sld [smem:$0x3FC8];
	(tm) =	ssettm $0x1  }
0x92: {  	s4 =	sld [smem:$0x3FFB];
	_ =	sdelay $0x3  }
0x93: {  	_ =	strace s4  }
0x94: {  	s4 =	sld [smem:$0x3FFC];
	_ =	sdelay $0x3  }
0x95: {  	_ =	strace s4  }
0x96: {  	s4 =	sld [smem:$0x3FFD];
	_ =	sdelay $0x3  }
0x97: {  	_ =	strace s4  }
0x98: {  	_ =	strace $0x8FFFFFFF  }
0x99: {  	s19 =	sld [smem:$0x3FDB];
	_ =	sdelay $0x1  }
0x9a: {  	s5 =	simm.s32 $_scs_section_size  }
0x9b: {  	s6 =	simm.s32 $_size__tile_overlayer_lowered;
	s7 =	simm.s32 $_tile_overlayer_lowered  }
0x9c: {  	s22 =	simm.s32 $0x1BFF;
	s21 =	sshll.u32 s7, $0x1;
	s4 =	sadd.s32 s5, s19  }
0x9d: {  	s8 =	simm.s32 $0x0;
	s20 =	sshll.u32 s6, $0x1;
	s6 =	sadd.s32 s21, s4  }
0x9e: {  	[timem:s8], [sflag:s22] =	dma.local [hbm:s6], s20  }
0x9f: {  	_ =	swait.ge [sflag:s22], s20  }
0xa0: {  	s5 =	ssub.s32 $0x0, s20;
	[sflag:s22] =	ssyncset.done $0x0  }
0xa1: {  	[sflag:s22] =	ssyncadd.s32 s5;
	_ =	sdelay $0x1  }
0xa2: {  	s23 =	simm.s32 $0x1B8B  }
0xa3: {  	_ =	swait.ge [sflag:s23], $0x1  }
0xa4: {  	[sflag:s23] =	ssyncset.done $0x0  }
0xa5: {  	s25 =	simm.s32 $0x1B8E;
	s24 =	sld [smem:$0x3FFE];
	[sflag:s23] =	ssyncadd.s32 $0xFFFFFFFF  }
0xa6: {  	s26 =	simm.s32 $execute0_lowered;
	[smem:$0x3FD2] =	sst s25  }
0xa7: {  	s6 =	sshll.u32 s26, $0x1;
	_ =	strace $0x80000046;
	[dreg:$0x1] =	wrdreg $0xFFFFFFFF  }
0xa8: {  	s28 =	simm.s32 $_size_execute0_lowered;
	s4 =	sadd.s32 s4, s6;
	[dreg:$0x0] =	wrdreg $0x0  }
0xa9: {  	s6 =	sshll.u32 s28, $0x1;
	[dreg:$0x2] =	wrdreg s4  }
0xaa: {  	[dreg:$0x3] =	wrdreg s6  }
0xab: {  	[dreg:$0x4] =	wrdreg $0xC0  }
0xac: {  	_ =	task [dreg:s8], $0x5FFFF  }
0xad: {  	[dreg:$0x1] =	wrdreg $0xFFFFFFFF  }
0xae: {  	[dreg:$0x0] =	wrdreg $0x60  }
0xaf: {  	[dreg:$0x2] =	wrdreg s2  }
0xb0: {  	[dreg:$0x3] =	wrdreg s18  }
0xb1: {  	[dreg:$0x4] =	wrdreg s24  }
0xb2: {  	[dreg:$0x5] =	wrdreg $0x9  }
0xb3: {  	_ =	task.clear_ibuf [dreg:s8], $0x6FFFF;
	_ =	strace $0x90000046  }
0xb4: {  	s29 =	simm.s32 $0x9;
	_ =	strace $0x80000048  }
0xb5: {  	_ =	swait.ge [sflag:s29], $0x1  }
0xb6: {  	[sflag:s29] =	ssyncadd.s32 $0xFFFFFFFF  }
0xb7: {  	_ =	strace $0x90000048  }
0xb8: {  	_ =	sfence  }
0xb9: {  	s30 =	sld [smem:$0x0];
	_ =	sdelay $0x2  }
0xba: {  	s31 =	sshll.u32 s1, $0xD;
	s1 =	sshrl.u32 s1, $0x2  }
0xbb: {  	s3 =	sand.u32 $0x4000, s31;
	s1 =	sadd.s32 s1, s30  }
0xbc: {  	s0 =	sor.u32 s3, s0;
	s1 =	sshll.u32 s1, $0x11  }
0xbd: {  	s0 =	sor.u32 s1, s0  }
0xbe: {  	s0 =	sadd.s32 $0x8F2B, s0  }
0xbf: {  	[sflag:s0] =	ssyncadd.remote.s32 $0x1  }
0xc0: {  	_ =	sfence.sel $0xFFFF  }
0xc1: {  	[dreg:$0x0] =	wrdreg $0xFFFFFFFF;
	(pc) =	sbr.abs _section_cstart, $3  }
0xc2: {  	[dreg:$0x1] =	wrdreg $0xFFFFFFFF  }
0xc3: {  	_ =	task.clear_ibuf [dreg:s8], $0x2FFFF;
	_ =	strace $0x9FFFFFFF  }
0xc4: {  	(tm) =	ssettm $0x7FFFFFFF  }
0xc5: {  	_ =	shalt  }
tec
execute0_lowered:
.L_overlay_start_1:
0x0: {  	(tag) =	ssettag $0x1  }
0x1: {  	s3 =	rddreg [dreg:$0x0];
	s1 =	srdreg.scid  }
0x2: {  	s5 =	rddreg [dreg:$0x1];
	s0 =	stileid.u32;
	s28 =	sand.u32 $0x1, s1  }
0x3: {  	s24 =	rddreg [dreg:$0x2];
	s4 =	sshll.u32 s0, $0xA;
	s6 =	sshll.u32 s28, $0x9  }
0x4: {  	s2 =	simm.s32 $0x0;
	s1 =	rddreg [dreg:$0x3];
	s25 =	sor.u32 s6, s4  }
0x5: {  	[smem:$0x7FF] =	sst s2;
	s6 =	sshrl.u32 s25, $0x3  }
0x6: {  	_ =	strace $0x80000047;
	s4 =	sadd.s32 s3, s6;
	s3 =	simm.s32 $0x3  }
0x7: {  	[tilespmem:s2], [sflag:$0x3] =	stream.linear.gather [hbm4b:s4+s2], $0x200, $0x38;
	[tilespmem:$0x8400] =	vst v63  }
0x8: {  	_ =	swait.ge [sflag:s3], $0x200  }
0x9: {  	[sflag:s3] =	ssyncset.done $0x0  }
0xa: {  	s5 =	sadd.s32 s5, s6;
	s6 =	simm.s32 $0x200;
	[sflag:s3] =	ssyncadd.s32 $0xFFFFFE00  }
0xb: {  	[tilespmem:s6], [sflag:$0x3] =	stream.linear.gather [hbm4b:s5+s2], $0x200, $0x38;
	[tilespmem:$0x8400] =	vst v63  }
0xc: {  	_ =	swait.ge [sflag:s3], $0x200  }
0xd: {  	s8 =	simm.s32 $0x80;
	[sflag:s3] =	ssyncset.done $0x0  }
0xe: {  	s9 =	simm.s32 $0x400;
	s7 =	sadd.s32 $0xB000, s24;
	[sflag:s3] =	ssyncadd.s32 $0xFFFFFE00  }
0xf: {  	[tilespmem:s9], [sflag:$0x1] =	stream.indirect.gather [hbm4b:s7+s8], $0x20, s2, s8, $0xb8;
	[tilespmem:$0x8400] =	vst v63  }
0x10: {  	s10 =	simm.s32 $0x1400  }
0x11: {  	[tilespmem:s10], [sflag:$0x1] =	stream.indirect.gather [hbm4b:s7+s8], $0x20, s8, s8, $0xb8;
	[tilespmem:$0x8400] =	vst v63  }
0x12: {  	s11 =	simm.s32 $0x100;
	s12 =	simm.s32 $0x2400  }
0x13: {  	[tilespmem:s12], [sflag:$0x1] =	stream.indirect.gather [hbm4b:s7+s8], $0x20, s11, s8, $0xb8;
	[tilespmem:$0x8400] =	vst v63  }
0x14: {  	s13 =	simm.s32 $0x180;
	s14 =	simm.s32 $0x3400  }
0x15: {  	[tilespmem:s14], [sflag:$0x1] =	stream.indirect.gather [hbm4b:s7+s8], $0x20, s13, s8, $0xb8;
	[tilespmem:$0x8400] =	vst v63  }
0x16: {  	s16 =	simm.s32 $0x4400;
	s15 =	sadd.s32 $0x1200, s24  }
0x17: {  	[tilespmem:s16], [sflag:$0x2] =	stream.indirect.gather [hbm4b:s15+s8], $0x20, s6, s8, $0xb8;
	[tilespmem:$0x8400] =	vst v63  }
0x18: {  	s17 =	simm.s32 $0x280;
	s18 =	simm.s32 $0x5400  }
0x19: {  	[tilespmem:s18], [sflag:$0x2] =	stream.indirect.gather [hbm4b:s15+s8], $0x20, s17, s8, $0xb8;
	[tilespmem:$0x8400] =	vst v63  }
0x1a: {  	s19 =	simm.s32 $0x300;
	s20 =	simm.s32 $0x6400  }
0x1b: {  	[tilespmem:s20], [sflag:$0x2] =	stream.indirect.gather [hbm4b:s15+s8], $0x20, s19, s8, $0xb8;
	[tilespmem:$0x8400] =	vst v63  }
0x1c: {  	s21 =	simm.s32 $0x380;
	s22 =	simm.s32 $0x7400;
	s23 =	simm.s32 $0x1  }
0x1d: {  	[tilespmem:s22], [sflag:$0x2] =	stream.indirect.gather [hbm4b:s15+s8], $0x20, s21, s8, $0xb8;
	[tilespmem:$0x8400] =	vst v63  }
0x1e: {  	_ =	swait.ge [sflag:s23], $0x1000  }
0x1f: {  	[sflag:s23] =	ssyncset.done $0x0  }
0x20: {  	[sflag:s23] =	ssyncadd.s32 $0xFFFFF000  }
0x21: {  	_ =	swait.ge [sflag:s23], $0x1000  }
0x22: {  	[sflag:s23] =	ssyncset.done $0x0  }
0x23: {  	[sflag:s23] =	ssyncadd.s32 $0xFFFFF000  }
0x24: {  	_ =	swait.ge [sflag:s23], $0x1000  }
0x25: {  	s25 =	sshll.u32 s25, $0x4;
	[sflag:s23] =	ssyncset.done $0x0  }
0x26: {  	s25 =	sor.u32 s0, s25;
	[sflag:s23] =	ssyncadd.s32 $0xFFFFF000  }
0x27: {  	s25 =	sand.u32 $0x1E008, s25;
	_ =	swait.ge [sflag:s23], $0x1000  }
0x28: {  	s29 =	sadd.s32 s25, s24;
	[sflag:s23] =	ssyncset.done $0x0  }
0x29: {  	s25 =	simm.s32 $0x20;
	s24 =	sadd.s32 $0x14E00, s29;
	[sflag:s23] =	ssyncadd.s32 $0xFFFFF000  }
0x2a: {  	[hbm4b:s24+s25] =	stream.strided.scatter [tilespmem:s9], [sflag:$0x3], $0x4000, s8, s25, $0x38;
	[tilespmem:$0x8400] =	vst v63  }
0x2b: {  	_ =	swait.ge [sflag:s3], $0x4000  }
0x2c: {  	[sflag:s3] =	ssyncset.done $0x0  }
0x2d: {  	s26 =	simm.s32 $0x2;
	[sflag:s3] =	ssyncadd.s32 $0xFFFFC000  }
0x2e: {  	_ =	swait.ge [sflag:s26], $0x1000  }
0x2f: {  	[sflag:s26] =	ssyncset.done $0x0  }
0x30: {  	[sflag:s26] =	ssyncadd.s32 $0xFFFFF000  }
0x31: {  	_ =	swait.ge [sflag:s26], $0x1000  }
0x32: {  	[sflag:s26] =	ssyncset.done $0x0  }
0x33: {  	s28 =	ssub.s32 $0x2, s28;
	[sflag:s26] =	ssyncadd.s32 $0xFFFFF000  }
0x34: {  	s30 =	sshrl.u32 s28, $0x1;
	_ =	swait.ge [sflag:s26], $0x1000  }
0x35: {  	s30 =	ssub.s32 s28, s30;
	[sflag:s26] =	ssyncset.done $0x0  }
0x36: {  	s28 =	sadd.s32 $0x14E04, s29;
	s29 =	smax.u32 s30, $0x1;
	[sflag:s26] =	ssyncadd.s32 $0xFFFFF000  }
0x37: {  	p0 =	sne.s32 s29, $0x1;
	_ =	swait.ge [sflag:s26], $0x1000  }
.Ltmp0:
0x38: {  	[sflag:s26] =	ssyncset.done $0x0;
	(pc) =	sbr.rel @!p0 .LBB2_2-.Ltmp0, $4  }
0x39: {  	[sflag:s26] =	ssyncadd.s32 $0xFFFFF000  }
0x3a: {  	[hbm4b:s28+s25] =	stream.strided.scatter [tilespmem:s16], [sflag:$0x3], $0x4000, s8, s25, $0x38;
	[tilespmem:$0x8400] =	vst v63  }
0x3b: {  	_ =	swait.ge [sflag:s3], $0x4000  }
0x3c: {  	s29 =	sadd.s32 $0xFFFFFFFF, s29;
	[sflag:s3] =	ssyncset.done $0x0  }
.LBB2_1:
0x3d: {  	p0 =	sne.s32 s29, $0x1;
	s29 =	sadd.s32 $0xFFFFFFFF, s29;
	[sflag:s3] =	ssyncadd.s32 $0xFFFFC000  }
0x3e: {  	[tilespmem:s2], [sflag:$0x3] =	stream.linear.gather [hbm4b:s4+s2], $0x200, $0x38;
	[tilespmem:$0x8400] =	vst v63  }
0x3f: {  	_ =	swait.ge [sflag:s3], $0x200  }
0x40: {  	[sflag:s3] =	ssyncset.done $0x0  }
0x41: {  	[sflag:s3] =	ssyncadd.s32 $0xFFFFFE00  }
0x42: {  	[tilespmem:s6], [sflag:$0x3] =	stream.linear.gather [hbm4b:s5+s2], $0x200, $0x38;
	[tilespmem:$0x8400] =	vst v63  }
0x43: {  	_ =	swait.ge [sflag:s3], $0x200  }
0x44: {  	[sflag:s3] =	ssyncset.done $0x0  }
0x45: {  	[sflag:s3] =	ssyncadd.s32 $0xFFFFFE00  }
0x46: {  	[tilespmem:s9], [sflag:$0x1] =	stream.indirect.gather [hbm4b:s7+s8], $0x20, s2, s8, $0xb8;
	[tilespmem:$0x8400] =	vst v63  }
0x47: {  	_ = 	snop  }
0x48: {  	[tilespmem:s10], [sflag:$0x1] =	stream.indirect.gather [hbm4b:s7+s8], $0x20, s8, s8, $0xb8;
	[tilespmem:$0x8400] =	vst v63  }
0x49: {  	_ = 	snop  }
0x4a: {  	[tilespmem:s12], [sflag:$0x1] =	stream.indirect.gather [hbm4b:s7+s8], $0x20, s11, s8, $0xb8;
	[tilespmem:$0x8400] =	vst v63  }
0x4b: {  	_ = 	snop  }
0x4c: {  	[tilespmem:s14], [sflag:$0x1] =	stream.indirect.gather [hbm4b:s7+s8], $0x20, s13, s8, $0xb8;
	[tilespmem:$0x8400] =	vst v63  }
0x4d: {  	_ = 	snop  }
0x4e: {  	[tilespmem:s16], [sflag:$0x2] =	stream.indirect.gather [hbm4b:s15+s8], $0x20, s6, s8, $0xb8;
	[tilespmem:$0x8400] =	vst v63  }
0x4f: {  	_ = 	snop  }
0x50: {  	[tilespmem:s18], [sflag:$0x2] =	stream.indirect.gather [hbm4b:s15+s8], $0x20, s17, s8, $0xb8;
	[tilespmem:$0x8400] =	vst v63  }
0x51: {  	_ = 	snop  }
0x52: {  	[tilespmem:s20], [sflag:$0x2] =	stream.indirect.gather [hbm4b:s15+s8], $0x20, s19, s8, $0xb8;
	[tilespmem:$0x8400] =	vst v63  }
0x53: {  	_ = 	snop  }
0x54: {  	[tilespmem:s22], [sflag:$0x2] =	stream.indirect.gather [hbm4b:s15+s8], $0x20, s21, s8, $0xb8;
	[tilespmem:$0x8400] =	vst v63  }
0x55: {  	_ =	swait.ge [sflag:s23], $0x1000  }
0x56: {  	[sflag:s23] =	ssyncset.done $0x0  }
0x57: {  	[sflag:s23] =	ssyncadd.s32 $0xFFFFF000  }
0x58: {  	_ =	swait.ge [sflag:s23], $0x1000  }
0x59: {  	[sflag:s23] =	ssyncset.done $0x0  }
0x5a: {  	[sflag:s23] =	ssyncadd.s32 $0xFFFFF000  }
0x5b: {  	_ =	swait.ge [sflag:s23], $0x1000  }
0x5c: {  	[sflag:s23] =	ssyncset.done $0x0  }
0x5d: {  	[sflag:s23] =	ssyncadd.s32 $0xFFFFF000  }
0x5e: {  	_ =	swait.ge [sflag:s23], $0x1000  }
0x5f: {  	[sflag:s23] =	ssyncset.done $0x0  }
0x60: {  	[sflag:s23] =	ssyncadd.s32 $0xFFFFF000  }
0x61: {  	[hbm4b:s24+s25] =	stream.strided.scatter [tilespmem:s9], [sflag:$0x3], $0x4000, s8, s25, $0x38;
	[tilespmem:$0x8400] =	vst v63  }
0x62: {  	_ =	swait.ge [sflag:s3], $0x4000  }
0x63: {  	[sflag:s3] =	ssyncset.done $0x0  }
0x64: {  	[sflag:s3] =	ssyncadd.s32 $0xFFFFC000  }
0x65: {  	_ =	swait.ge [sflag:s26], $0x1000  }
0x66: {  	[sflag:s26] =	ssyncset.done $0x0  }
0x67: {  	[sflag:s26] =	ssyncadd.s32 $0xFFFFF000  }
0x68: {  	_ =	swait.ge [sflag:s26], $0x1000  }
0x69: {  	[sflag:s26] =	ssyncset.done $0x0  }
0x6a: {  	[sflag:s26] =	ssyncadd.s32 $0xFFFFF000  }
0x6b: {  	_ =	swait.ge [sflag:s26], $0x1000  }
0x6c: {  	[sflag:s26] =	ssyncset.done $0x0  }
0x6d: {  	[sflag:s26] =	ssyncadd.s32 $0xFFFFF000  }
0x6e: {  	_ =	swait.ge [sflag:s26], $0x1000  }
.Ltmp1:
0x6f: {  	[sflag:s26] =	ssyncset.done $0x0;
	(pc) =	sbr.rel @p0 .LBB2_1-.Ltmp1, $4  }
0x70: {  	[sflag:s26] =	ssyncadd.s32 $0xFFFFF000  }
0x71: {  	[hbm4b:s28+s25] =	stream.strided.scatter [tilespmem:s16], [sflag:$0x3], $0x4000, s8, s25, $0x38;
	[tilespmem:$0x8400] =	vst v63  }
0x72: {  	_ =	swait.ge [sflag:s3], $0x4000  }
0x73: {  	[sflag:s3] =	ssyncset.done $0x0  }
.LBB2_2:
0x74: {  	[sflag:s3] =	ssyncadd.s32 $0xFFFFC000  }
0x75: {  	_ =	sfence.sel $0x180000  }
0x76: {  	[bflag:$0x0] =	sbarrier.arrive $0xFFFF  }
0x77: {  	p0 =	sne.s32 s0, $0x0;
	_ =	strace $0x90000047  }
0x78: {  	s0 =	sadd.s32 @!p0 $0x100000, s1;
	[bflag:$0x2] =	sbarrier.arrive $0xFFFF  }
0x79: {  	[sflag:s0] =	ssyncadd.tile.s32 @!p0 $0x1;
	_ =	shalt  }
.Lfunc_end2:
_tile_overlayer_lowered:
.L_overlay_start_2:
0x7a: {  	(tag) =	ssettag $0x2  }
0x7b: {  	s0 =	rddreg [dreg:$0x0];
	s2 =	stileid.u32  }
0x7c: {  	s1 =	rddreg [dreg:$0x1];
	p0 =	sne.s32 s2, $0x0  }
0x7d: {  	s3 =	rddreg [dreg:$0x2];
	[bflag:$0x3] =	sbarrier.arrive $0xFFFF;
	s2 =	simm.s32 @!p0 $0x1C03  }
0x7e: {  	[timem:s3], [sflag:s2] =	dma.local @!p0 [hbm:s0], s1  }
0x7f: {  	s0 =	simm.s32 @!p0 $0x3  }
0x80: {  	_ =	swait.ge @!p0 [sflag:s0], s1  }
0x81: {  	s1 =	ssub.s32 @!p0 $0x0, s1;
	[sflag:s0] =	ssyncset.done @!p0 $0x0  }
0x82: {  	[sflag:s0] =	ssyncadd.s32 @!p0 s1  }
0x83: {  	[bflag:$0x3] =	sbarrier.arrive $0xFFFF  }
0x84: {  	_ =	shalt  }

</sc_bundles>
